<compile_context>
chip_gen: v7x
topology: tpu7x:2x2x1
jax: 0.10.2.dev20260603
libtpu: 0.0.44.dev20260713+nightly
codegen_flags: <defaults>
</compile_context>

<pallas_src>
import jax
import jax.numpy as jnp
from jax import lax
from jax.experimental import pallas as pl
from jax.experimental.pallas import tpu as pltpu
from jax.experimental.pallas import tpu_sc as plsc

VOCAB = 100000
EMBED = 128
NC = 2
NS = 16
NW = NC * NS
CHUNK = 128
NBUF = 6
NPAIR = NBUF // 2


def _gather_body(idx_hbm, table_hbm, out_hbm, idx_v, rows_v, *sems):
    nchunk = idx_hbm.shape[1]
    nslot = -(-nchunk // NBUF) * NBUF
    gsems = sems[:NBUF]
    ssems = sems[NBUF:]
    wid = lax.axis_index("s") * NC + lax.axis_index("c")
    base = wid * nchunk

    pltpu.sync_copy(idx_hbm.at[wid], idx_v)

    def gather_start(c, b):
        pltpu.async_copy(table_hbm.at[idx_v.at[c]], rows_v.at[b], gsems[b])

    def gather_wait(c, b):
        pltpu.make_async_copy(
            table_hbm.at[idx_v.at[c]], rows_v.at[b], gsems[b]).wait()

    def scatter_start(c, p):
        pltpu.async_copy(rows_v.at[pl.ds(2 * p, 2)],
                         out_hbm.at[pl.ds(base + c, 2)], ssems[p])

    def scatter_wait(c, p):
        pltpu.make_async_copy(rows_v.at[pl.ds(2 * p, 2)],
                              out_hbm.at[pl.ds(base + c, 2)], ssems[p]).wait()

    for b in range(NBUF):
        if b < nchunk:
            gather_start(b, b)

    @pl.loop(0, nslot, step=NBUF)
    def _round(g):
        for p in range(NPAIR):
            c = g + 2 * p

            @pl.when(c < nchunk)
            def _():
                gather_wait(c, 2 * p)
                gather_wait(c + 1, 2 * p + 1)
                scatter_start(c, p)
        for p in range(NPAIR):
            c = g + 2 * p

            @pl.when(c < nchunk)
            def _():
                scatter_wait(c, p)

            nxt = g + NBUF + 2 * p

            @pl.when(nxt < nchunk)
            def _():
                gather_start(nxt, 2 * p)
                gather_start(nxt + 1, 2 * p + 1)


def kernel(x, embed):
    B, T = x.shape
    n = B * T
    assert n % (NW * CHUNK) == 0
    per_w = n // NW
    nchunk = per_w // CHUNK
    assert nchunk % 2 == 0
    idx3 = x.reshape(NW, nchunk, CHUNK).astype(jnp.int32)

    call = pl.kernel(
        _gather_body,
        out_type=jax.ShapeDtypeStruct((n // CHUNK, CHUNK, EMBED), jnp.float32),
        mesh=plsc.VectorSubcoreMesh(core_axis_name="c", subcore_axis_name="s"),
        scratch_types=[
            pltpu.VMEM((nchunk, CHUNK), jnp.int32),
            pltpu.VMEM((NBUF, CHUNK, EMBED), jnp.float32),
        ] + [pltpu.SemaphoreType.DMA] * (NBUF + NPAIR),
    )
    out = call(idx3, embed)
    return out.reshape(B, T, EMBED)

# --- scband reference (transcript-rebuilt; emitter-appended) ---
"""Pipeline reference for scband-bigram-language-model-79173427134882 (READ-ONLY COPY).

The authoritative reference and input builder live on the scoring server;
editing this copy changes nothing except your own understanding.
"""

import jax, jax.numpy as jnp
import numpy as np

VOCAB = 100000
EMBED = 128
B = 1024
T = 200

def setup_inputs(seed: int = 0) -> dict:
    key = jax.random.key(seed)
    k1, k2 = jax.random.split(key)
    x = jax.random.randint(k1, (B, T), 0, VOCAB, dtype=jnp.int64 if jax.config.jax_enable_x64 else jnp.int32)
    embed = jax.random.normal(k2, (VOCAB, EMBED), dtype=jnp.float32)
    return {"x": x, "embed": embed}

def reference(x, embed):
    # BigramLanguageModel.forward with targets=None: logits = Embedding(x)
    logits = jnp.take(embed, x, axis=0)  # [B, T, EMBED]
    return logits

if __name__ == "__main__":
    import jax
    _d = setup_inputs()
    print(jax.jit(kernel)(*tuple(_d.values())))

</pallas_src>

<mosaic_0001>
#map = affine_map<(d0, d1) -> (0, 0, 0)>
#map1 = affine_map<(d0, d1) -> (0, 0)>
module attributes {stable_mosaic.version = 14 : i64} {
  func.func @_gather_body(%arg0: i32, %arg1: i32, %arg2: memref<32x50x128xi32, #tpu.memory_space<hbm>>, %arg3: memref<100000x128xf32, #tpu.memory_space<hbm>>, %arg4: memref<1600x128x128xf32, #tpu.memory_space<hbm>>, %arg5: memref<50x128xi32, #tpu.memory_space<vmem>>, %arg6: memref<6x128x128xf32, #tpu.memory_space<vmem>>, %arg7: memref<!tpu.dma_semaphore, #tpu.memory_space<semaphore_mem>>, %arg8: memref<!tpu.dma_semaphore, #tpu.memory_space<semaphore_mem>>, %arg9: memref<!tpu.dma_semaphore, #tpu.memory_space<semaphore_mem>>, %arg10: memref<!tpu.dma_semaphore, #tpu.memory_space<semaphore_mem>>, %arg11: memref<!tpu.dma_semaphore, #tpu.memory_space<semaphore_mem>>, %arg12: memref<!tpu.dma_semaphore, #tpu.memory_space<semaphore_mem>>, %arg13: memref<!tpu.dma_semaphore, #tpu.memory_space<semaphore_mem>>, %arg14: memref<!tpu.dma_semaphore, #tpu.memory_space<semaphore_mem>>, %arg15: memref<!tpu.dma_semaphore, #tpu.memory_space<semaphore_mem>>) attributes {dimension_semantics = [#tpu.dimension_semantics<core_parallel>, #tpu.dimension_semantics<subcore_parallel>], iteration_bounds = array<i64: 2, 16>, scalar_prefetch = 0 : i64, scratch_operands = 11 : i64, tpu.core_type = #tpu.core_type<sc_vector_subcore>, window_params = [{transform_indices = #map}, {transform_indices = #map1}, {transform_indices = #map}]} {
    %mul3A = arith.constant 2 : i32
    %mul3A_0 = arith.muli %arg1, %mul3A : i32
    %add3A = arith.addi %mul3A_0, %arg0 : i32
    %mul3A_1 = arith.constant 50 : i32
    %mul3A_2 = arith.muli %add3A, %mul3A_1 : i32
    "tpu.region"() ({
      %run_scoped3A = tpu.sem_alloc : memref<!tpu.dma_semaphore, #tpu.memory_space<semaphore_mem>>
      %dma_start3A_78 = arith.constant 0 : i32
      %dma_start3A_79 = arith.constant 0 : i32
      %dma_start3A_80 = tpu.memref_slice %arg2[%add3A, %dma_start3A_78, %dma_start3A_79] : memref<32x50x128xi32, #tpu.memory_space<hbm>> -> memref<1x50x128xi32, #tpu.memory_space<hbm>>
      %dma_start3A_81 = tpu.memref_squeeze %dma_start3A_80 : memref<1x50x128xi32, #tpu.memory_space<hbm>> -> memref<50x128xi32, #tpu.memory_space<hbm>>
      %dma_start3A_82 = arith.constant 0 : i32
      %dma_start3A_83 = arith.constant 0 : i32
      %dma_start3A_84 = tpu.memref_slice %arg2[%add3A, %dma_start3A_82, %dma_start3A_83] : memref<32x50x128xi32, #tpu.memory_space<hbm>> -> memref<1x50x128xi32, #tpu.memory_space<hbm>>
      %dma_start3A_85 = tpu.memref_squeeze %dma_start3A_84 : memref<1x50x128xi32, #tpu.memory_space<hbm>> -> memref<50x128xi32, #tpu.memory_space<hbm>>
      tpu.enqueue_dma source(%dma_start3A_85 : memref<50x128xi32, #tpu.memory_space<hbm>>) target(%arg5 : memref<50x128xi32, #tpu.memory_space<vmem>>) target_semaphore(%run_scoped3A : memref<!tpu.dma_semaphore, #tpu.memory_space<semaphore_mem>>)
      %dma_wait3A = arith.constant 0 : i32
      %dma_wait3A_86 = arith.constant 0 : i32
      %dma_wait3A_87 = tpu.memref_slice %arg2[%add3A, %dma_wait3A, %dma_wait3A_86] : memref<32x50x128xi32, #tpu.memory_space<hbm>> -> memref<1x50x128xi32, #tpu.memory_space<hbm>>
      %dma_wait3A_88 = tpu.memref_squeeze %dma_wait3A_87 : memref<1x50x128xi32, #tpu.memory_space<hbm>> -> memref<50x128xi32, #tpu.memory_space<hbm>>
      %dma_wait3A_89 = arith.constant 0 : i32
      %dma_wait3A_90 = arith.constant 0 : i32
      %dma_wait3A_91 = tpu.memref_slice %arg2[%add3A, %dma_wait3A_89, %dma_wait3A_90] : memref<32x50x128xi32, #tpu.memory_space<hbm>> -> memref<1x50x128xi32, #tpu.memory_space<hbm>>
      %dma_wait3A_92 = tpu.memref_squeeze %dma_wait3A_91 : memref<1x50x128xi32, #tpu.memory_space<hbm>> -> memref<50x128xi32, #tpu.memory_space<hbm>>
      tpu.wait_dma2 semaphore(%run_scoped3A : memref<!tpu.dma_semaphore, #tpu.memory_space<semaphore_mem>>) src(%dma_wait3A_92 : memref<50x128xi32, #tpu.memory_space<hbm>>) dst(%arg5 : memref<50x128xi32, #tpu.memory_space<vmem>>)
      tpu.yield
    }) : () -> ()
    %dma_start3A = arith.constant 0 : i32
    %dma_start3A_3 = arith.constant 0 : i32
    %dma_start3A_4 = arith.constant 0 : i32
    %dma_start3A_5 = arith.constant 0 : i32
    %dma_start3A_6 = tpu.memref_slice %arg6[%dma_start3A_3, %dma_start3A_4, %dma_start3A_5] : memref<6x128x128xf32, #tpu.memory_space<vmem>> -> memref<1x128x128xf32, #tpu.memory_space<vmem>>
    %dma_start3A_7 = tpu.memref_squeeze %dma_start3A_6 : memref<1x128x128xf32, #tpu.memory_space<vmem>> -> memref<128x128xf32, #tpu.memory_space<vmem>>
    %dma_start3A_8 = arith.constant 0 : i32
    %dma_start3A_9 = tpu.memref_slice %arg5[%dma_start3A, %dma_start3A_8] : memref<50x128xi32, #tpu.memory_space<vmem>> -> memref<1x128xi32, #tpu.memory_space<vmem>>
    %dma_start3A_10 = tpu.memref_squeeze %dma_start3A_9 : memref<1x128xi32, #tpu.memory_space<vmem>> -> memref<128xi32, #tpu.memory_space<vmem>>
    %dma_start3A_11 = arith.constant 0 : i32
    %dma_start3A_12 = arith.constant 0 : i32
    %dma_start3A_13 = tpu.memref_slice %arg3[%dma_start3A_11, %dma_start3A_12] : memref<100000x128xf32, #tpu.memory_space<hbm>> -> memref<100000x128xf32, #tpu.memory_space<hbm>>
    tpu.enqueue_indirect_dma source(%dma_start3A_13 : memref<100000x128xf32, #tpu.memory_space<hbm>>) target(%dma_start3A_7 : memref<128x128xf32, #tpu.memory_space<vmem>>) offsets(%dma_start3A_10 : memref<128xi32, #tpu.memory_space<vmem>>) semaphore(%arg7 : memref<!tpu.dma_semaphore, #tpu.memory_space<semaphore_mem>>)
    %dma_start3A_14 = arith.constant 1 : i32
    %dma_start3A_15 = arith.constant 1 : i32
    %dma_start3A_16 = arith.constant 0 : i32
    %dma_start3A_17 = arith.constant 0 : i32
    %dma_start3A_18 = tpu.memref_slice %arg6[%dma_start3A_15, %dma_start3A_16, %dma_start3A_17] : memref<6x128x128xf32, #tpu.memory_space<vmem>> -> memref<1x128x128xf32, #tpu.memory_space<vmem>>
    %dma_start3A_19 = tpu.memref_squeeze %dma_start3A_18 : memref<1x128x128xf32, #tpu.memory_space<vmem>> -> memref<128x128xf32, #tpu.memory_space<vmem>>
    %dma_start3A_20 = arith.constant 0 : i32
    %dma_start3A_21 = tpu.memref_slice %arg5[%dma_start3A_14, %dma_start3A_20] : memref<50x128xi32, #tpu.memory_space<vmem>> -> memref<1x128xi32, #tpu.memory_space<vmem>>
    %dma_start3A_22 = tpu.memref_squeeze %dma_start3A_21 : memref<1x128xi32, #tpu.memory_space<vmem>> -> memref<128xi32, #tpu.memory_space<vmem>>
    %dma_start3A_23 = arith.constant 0 : i32
    %dma_start3A_24 = arith.constant 0 : i32
    %dma_start3A_25 = tpu.memref_slice %arg3[%dma_start3A_23, %dma_start3A_24] : memref<100000x128xf32, #tpu.memory_space<hbm>> -> memref<100000x128xf32, #tpu.memory_space<hbm>>
    tpu.enqueue_indirect_dma source(%dma_start3A_25 : memref<100000x128xf32, #tpu.memory_space<hbm>>) target(%dma_start3A_19 : memref<128x128xf32, #tpu.memory_space<vmem>>) offsets(%dma_start3A_22 : memref<128xi32, #tpu.memory_space<vmem>>) semaphore(%arg8 : memref<!tpu.dma_semaphore, #tpu.memory_space<semaphore_mem>>)
    %dma_start3A_26 = arith.constant 2 : i32
    %dma_start3A_27 = arith.constant 2 : i32
    %dma_start3A_28 = arith.constant 0 : i32
    %dma_start3A_29 = arith.constant 0 : i32
    %dma_start3A_30 = tpu.memref_slice %arg6[%dma_start3A_27, %dma_start3A_28, %dma_start3A_29] : memref<6x128x128xf32, #tpu.memory_space<vmem>> -> memref<1x128x128xf32, #tpu.memory_space<vmem>>
    %dma_start3A_31 = tpu.memref_squeeze %dma_start3A_30 : memref<1x128x128xf32, #tpu.memory_space<vmem>> -> memref<128x128xf32, #tpu.memory_space<vmem>>
    %dma_start3A_32 = arith.constant 0 : i32
    %dma_start3A_33 = tpu.memref_slice %arg5[%dma_start3A_26, %dma_start3A_32] : memref<50x128xi32, #tpu.memory_space<vmem>> -> memref<1x128xi32, #tpu.memory_space<vmem>>
    %dma_start3A_34 = tpu.memref_squeeze %dma_start3A_33 : memref<1x128xi32, #tpu.memory_space<vmem>> -> memref<128xi32, #tpu.memory_space<vmem>>
    %dma_start3A_35 = arith.constant 0 : i32
    %dma_start3A_36 = arith.constant 0 : i32
    %dma_start3A_37 = tpu.memref_slice %arg3[%dma_start3A_35, %dma_start3A_36] : memref<100000x128xf32, #tpu.memory_space<hbm>> -> memref<100000x128xf32, #tpu.memory_space<hbm>>
    tpu.enqueue_indirect_dma source(%dma_start3A_37 : memref<100000x128xf32, #tpu.memory_space<hbm>>) target(%dma_start3A_31 : memref<128x128xf32, #tpu.memory_space<vmem>>) offsets(%dma_start3A_34 : memref<128xi32, #tpu.memory_space<vmem>>) semaphore(%arg9 : memref<!tpu.dma_semaphore, #tpu.memory_space<semaphore_mem>>)
    %dma_start3A_38 = arith.constant 3 : i32
    %dma_start3A_39 = arith.constant 3 : i32
    %dma_start3A_40 = arith.constant 0 : i32
    %dma_start3A_41 = arith.constant 0 : i32
    %dma_start3A_42 = tpu.memref_slice %arg6[%dma_start3A_39, %dma_start3A_40, %dma_start3A_41] : memref<6x128x128xf32, #tpu.memory_space<vmem>> -> memref<1x128x128xf32, #tpu.memory_space<vmem>>
    %dma_start3A_43 = tpu.memref_squeeze %dma_start3A_42 : memref<1x128x128xf32, #tpu.memory_space<vmem>> -> memref<128x128xf32, #tpu.memory_space<vmem>>
    %dma_start3A_44 = arith.constant 0 : i32
    %dma_start3A_45 = tpu.memref_slice %arg5[%dma_start3A_38, %dma_start3A_44] : memref<50x128xi32, #tpu.memory_space<vmem>> -> memref<1x128xi32, #tpu.memory_space<vmem>>
    %dma_start3A_46 = tpu.memref_squeeze %dma_start3A_45 : memref<1x128xi32, #tpu.memory_space<vmem>> -> memref<128xi32, #tpu.memory_space<vmem>>
    %dma_start3A_47 = arith.constant 0 : i32
    %dma_start3A_48 = arith.constant 0 : i32
    %dma_start3A_49 = tpu.memref_slice %arg3[%dma_start3A_47, %dma_start3A_48] : memref<100000x128xf32, #tpu.memory_space<hbm>> -> memref<100000x128xf32, #tpu.memory_space<hbm>>
    tpu.enqueue_indirect_dma source(%dma_start3A_49 : memref<100000x128xf32, #tpu.memory_space<hbm>>) target(%dma_start3A_43 : memref<128x128xf32, #tpu.memory_space<vmem>>) offsets(%dma_start3A_46 : memref<128xi32, #tpu.memory_space<vmem>>) semaphore(%arg10 : memref<!tpu.dma_semaphore, #tpu.memory_space<semaphore_mem>>)
    %dma_start3A_50 = arith.constant 4 : i32
    %dma_start3A_51 = arith.constant 4 : i32
    %dma_start3A_52 = arith.constant 0 : i32
    %dma_start3A_53 = arith.constant 0 : i32
    %dma_start3A_54 = tpu.memref_slice %arg6[%dma_start3A_51, %dma_start3A_52, %dma_start3A_53] : memref<6x128x128xf32, #tpu.memory_space<vmem>> -> memref<1x128x128xf32, #tpu.memory_space<vmem>>
    %dma_start3A_55 = tpu.memref_squeeze %dma_start3A_54 : memref<1x128x128xf32, #tpu.memory_space<vmem>> -> memref<128x128xf32, #tpu.memory_space<vmem>>
    %dma_start3A_56 = arith.constant 0 : i32
    %dma_start3A_57 = tpu.memref_slice %arg5[%dma_start3A_50, %dma_start3A_56] : memref<50x128xi32, #tpu.memory_space<vmem>> -> memref<1x128xi32, #tpu.memory_space<vmem>>
    %dma_start3A_58 = tpu.memref_squeeze %dma_start3A_57 : memref<1x128xi32, #tpu.memory_space<vmem>> -> memref<128xi32, #tpu.memory_space<vmem>>
    %dma_start3A_59 = arith.constant 0 : i32
    %dma_start3A_60 = arith.constant 0 : i32
    %dma_start3A_61 = tpu.memref_slice %arg3[%dma_start3A_59, %dma_start3A_60] : memref<100000x128xf32, #tpu.memory_space<hbm>> -> memref<100000x128xf32, #tpu.memory_space<hbm>>
    tpu.enqueue_indirect_dma source(%dma_start3A_61 : memref<100000x128xf32, #tpu.memory_space<hbm>>) target(%dma_start3A_55 : memref<128x128xf32, #tpu.memory_space<vmem>>) offsets(%dma_start3A_58 : memref<128xi32, #tpu.memory_space<vmem>>) semaphore(%arg11 : memref<!tpu.dma_semaphore, #tpu.memory_space<semaphore_mem>>)
    %dma_start3A_62 = arith.constant 5 : i32
    %dma_start3A_63 = arith.constant 5 : i32
    %dma_start3A_64 = arith.constant 0 : i32
    %dma_start3A_65 = arith.constant 0 : i32
    %dma_start3A_66 = tpu.memref_slice %arg6[%dma_start3A_63, %dma_start3A_64, %dma_start3A_65] : memref<6x128x128xf32, #tpu.memory_space<vmem>> -> memref<1x128x128xf32, #tpu.memory_space<vmem>>
    %dma_start3A_67 = tpu.memref_squeeze %dma_start3A_66 : memref<1x128x128xf32, #tpu.memory_space<vmem>> -> memref<128x128xf32, #tpu.memory_space<vmem>>
    %dma_start3A_68 = arith.constant 0 : i32
    %dma_start3A_69 = tpu.memref_slice %arg5[%dma_start3A_62, %dma_start3A_68] : memref<50x128xi32, #tpu.memory_space<vmem>> -> memref<1x128xi32, #tpu.memory_space<vmem>>
    %dma_start3A_70 = tpu.memref_squeeze %dma_start3A_69 : memref<1x128xi32, #tpu.memory_space<vmem>> -> memref<128xi32, #tpu.memory_space<vmem>>
    %dma_start3A_71 = arith.constant 0 : i32
    %dma_start3A_72 = arith.constant 0 : i32
    %dma_start3A_73 = tpu.memref_slice %arg3[%dma_start3A_71, %dma_start3A_72] : memref<100000x128xf32, #tpu.memory_space<hbm>> -> memref<100000x128xf32, #tpu.memory_space<hbm>>
    tpu.enqueue_indirect_dma source(%dma_start3A_73 : memref<100000x128xf32, #tpu.memory_space<hbm>>) target(%dma_start3A_67 : memref<128x128xf32, #tpu.memory_space<vmem>>) offsets(%dma_start3A_70 : memref<128xi32, #tpu.memory_space<vmem>>) semaphore(%arg12 : memref<!tpu.dma_semaphore, #tpu.memory_space<semaphore_mem>>)
    %scan3A = arith.constant 0 : i32
    %scan3A_74 = arith.constant 9 : i32
    %scan3A_75 = arith.addi %scan3A, %scan3A_74 : i32
    %scan3A_76 = arith.constant 1 : i32
    scf.for %scan3A_78 = %scan3A to %scan3A_75 step %scan3A_76  : i32 {
      %mul3A_79 = arith.constant 6 : i32
      %mul3A_80 = arith.muli %scan3A_78, %mul3A_79 : i32
      %add3A_81 = arith.constant 0 : i32
      %add3A_82 = arith.addi %add3A_81, %mul3A_80 : i32
      %add3A_83 = arith.constant 0 : i32
      %add3A_84 = arith.addi %add3A_82, %add3A_83 : i32
      %lt3A = arith.constant 50 : i32
      %lt3A_85 = arith.cmpi slt, %add3A_84, %lt3A : i32
      %convert_element_type3A = arith.extui %lt3A_85 : i1 to i32
      %cond3A = arith.constant 0 : i32
      %cond3A_86 = arith.cmpi ne, %convert_element_type3A, %cond3A : i32
      scf.if %cond3A_86 {
        %dma_wait3A = arith.constant 0 : i32
        %dma_wait3A_149 = arith.constant 0 : i32
        %dma_wait3A_150 = arith.constant 0 : i32
        %dma_wait3A_151 = tpu.memref_slice %arg6[%dma_wait3A, %dma_wait3A_149, %dma_wait3A_150] : memref<6x128x128xf32, #tpu.memory_space<vmem>> -> memref<1x128x128xf32, #tpu.memory_space<vmem>>
        %dma_wait3A_152 = tpu.memref_squeeze %dma_wait3A_151 : memref<1x128x128xf32, #tpu.memory_space<vmem>> -> memref<128x128xf32, #tpu.memory_space<vmem>>
        %dma_wait3A_153 = arith.constant 0 : i32
        %dma_wait3A_154 = tpu.memref_slice %arg5[%add3A_84, %dma_wait3A_153] : memref<50x128xi32, #tpu.memory_space<vmem>> -> memref<1x128xi32, #tpu.memory_space<vmem>>
        %dma_wait3A_155 = tpu.memref_squeeze %dma_wait3A_154 : memref<1x128xi32, #tpu.memory_space<vmem>> -> memref<128xi32, #tpu.memory_space<vmem>>
        %dma_wait3A_156 = arith.constant 0 : i32
        %dma_wait3A_157 = arith.constant 0 : i32
        %dma_wait3A_158 = tpu.memref_slice %arg3[%dma_wait3A_156, %dma_wait3A_157] : memref<100000x128xf32, #tpu.memory_space<hbm>> -> memref<100000x128xf32, #tpu.memory_space<hbm>>
        tpu.wait_indirect_dma semaphore(%arg7 : memref<!tpu.dma_semaphore, #tpu.memory_space<semaphore_mem>>) src(%dma_wait3A_158 : memref<100000x128xf32, #tpu.memory_space<hbm>>) dst(%dma_wait3A_152 : memref<128x128xf32, #tpu.memory_space<vmem>>)
        %add3A_159 = arith.constant 1 : i32
        %add3A_160 = arith.addi %add3A_84, %add3A_159 : i32
        %dma_wait3A_161 = arith.constant 1 : i32
        %dma_wait3A_162 = arith.constant 0 : i32
        %dma_wait3A_163 = arith.constant 0 : i32
        %dma_wait3A_164 = tpu.memref_slice %arg6[%dma_wait3A_161, %dma_wait3A_162, %dma_wait3A_163] : memref<6x128x128xf32, #tpu.memory_space<vmem>> -> memref<1x128x128xf32, #tpu.memory_space<vmem>>
        %dma_wait3A_165 = tpu.memref_squeeze %dma_wait3A_164 : memref<1x128x128xf32, #tpu.memory_space<vmem>> -> memref<128x128xf32, #tpu.memory_space<vmem>>
        %dma_wait3A_166 = arith.constant 0 : i32
        %dma_wait3A_167 = tpu.memref_slice %arg5[%add3A_160, %dma_wait3A_166] : memref<50x128xi32, #tpu.memory_space<vmem>> -> memref<1x128xi32, #tpu.memory_space<vmem>>
        %dma_wait3A_168 = tpu.memref_squeeze %dma_wait3A_167 : memref<1x128xi32, #tpu.memory_space<vmem>> -> memref<128xi32, #tpu.memory_space<vmem>>
        %dma_wait3A_169 = arith.constant 0 : i32
        %dma_wait3A_170 = arith.constant 0 : i32
        %dma_wait3A_171 = tpu.memref_slice %arg3[%dma_wait3A_169, %dma_wait3A_170] : memref<100000x128xf32, #tpu.memory_space<hbm>> -> memref<100000x128xf32, #tpu.memory_space<hbm>>
        tpu.wait_indirect_dma semaphore(%arg8 : memref<!tpu.dma_semaphore, #tpu.memory_space<semaphore_mem>>) src(%dma_wait3A_171 : memref<100000x128xf32, #tpu.memory_space<hbm>>) dst(%dma_wait3A_165 : memref<128x128xf32, #tpu.memory_space<vmem>>)
        %add3A_172 = arith.addi %mul3A_2, %add3A_84 : i32
        %dma_start3A_173 = arith.constant 0 : i32
        %dma_start3A_174 = arith.constant 0 : i32
        %dma_start3A_175 = arith.constant 0 : i32
        %dma_start3A_176 = tpu.memref_slice %arg6[%dma_start3A_173, %dma_start3A_174, %dma_start3A_175] : memref<6x128x128xf32, #tpu.memory_space<vmem>> -> memref<2x128x128xf32, #tpu.memory_space<vmem>>
        %dma_start3A_177 = arith.constant 0 : i32
        %dma_start3A_178 = arith.constant 0 : i32
        %dma_start3A_179 = tpu.memref_slice %arg4[%add3A_172, %dma_start3A_177, %dma_start3A_178] : memref<1600x128x128xf32, #tpu.memory_space<hbm>> -> memref<2x128x128xf32, #tpu.memory_space<hbm>>
        %dma_start3A_180 = arith.constant 0 : i32
        %dma_start3A_181 = arith.constant 0 : i32
        %dma_start3A_182 = tpu.memref_slice %arg4[%add3A_172, %dma_start3A_180, %dma_start3A_181] : memref<1600x128x128xf32, #tpu.memory_space<hbm>> -> memref<2x128x128xf32, #tpu.memory_space<hbm>>
        %dma_start3A_183 = arith.constant 0 : i32
        %dma_start3A_184 = arith.constant 0 : i32
        %dma_start3A_185 = arith.constant 0 : i32
        %dma_start3A_186 = tpu.memref_slice %arg6[%dma_start3A_183, %dma_start3A_184, %dma_start3A_185] : memref<6x128x128xf32, #tpu.memory_space<vmem>> -> memref<2x128x128xf32, #tpu.memory_space<vmem>>
        tpu.enqueue_dma source(%dma_start3A_186 : memref<2x128x128xf32, #tpu.memory_space<vmem>>) target(%dma_start3A_182 : memref<2x128x128xf32, #tpu.memory_space<hbm>>) target_semaphore(%arg13 : memref<!tpu.dma_semaphore, #tpu.memory_space<semaphore_mem>>)
      } else {
      }
      %add3A_87 = arith.constant 2 : i32
      %add3A_88 = arith.addi %add3A_82, %add3A_87 : i32
      %lt3A_89 = arith.constant 50 : i32
      %lt3A_90 = arith.cmpi slt, %add3A_88, %lt3A_89 : i32
      %convert_element_type3A_91 = arith.extui %lt3A_90 : i1 to i32
      %cond3A_92 = arith.constant 0 : i32
      %cond3A_93 = arith.cmpi ne, %convert_element_type3A_91, %cond3A_92 : i32
      scf.if %cond3A_93 {
        %dma_wait3A = arith.constant 2 : i32
        %dma_wait3A_149 = arith.constant 0 : i32
        %dma_wait3A_150 = arith.constant 0 : i32
        %dma_wait3A_151 = tpu.memref_slice %arg6[%dma_wait3A, %dma_wait3A_149, %dma_wait3A_150] : memref<6x128x128xf32, #tpu.memory_space<vmem>> -> memref<1x128x128xf32, #tpu.memory_space<vmem>>
        %dma_wait3A_152 = tpu.memref_squeeze %dma_wait3A_151 : memref<1x128x128xf32, #tpu.memory_space<vmem>> -> memref<128x128xf32, #tpu.memory_space<vmem>>
        %dma_wait3A_153 = arith.constant 0 : i32
        %dma_wait3A_154 = tpu.memref_slice %arg5[%add3A_88, %dma_wait3A_153] : memref<50x128xi32, #tpu.memory_space<vmem>> -> memref<1x128xi32, #tpu.memory_space<vmem>>
        %dma_wait3A_155 = tpu.memref_squeeze %dma_wait3A_154 : memref<1x128xi32, #tpu.memory_space<vmem>> -> memref<128xi32, #tpu.memory_space<vmem>>
        %dma_wait3A_156 = arith.constant 0 : i32
        %dma_wait3A_157 = arith.constant 0 : i32
        %dma_wait3A_158 = tpu.memref_slice %arg3[%dma_wait3A_156, %dma_wait3A_157] : memref<100000x128xf32, #tpu.memory_space<hbm>> -> memref<100000x128xf32, #tpu.memory_space<hbm>>
        tpu.wait_indirect_dma semaphore(%arg9 : memref<!tpu.dma_semaphore, #tpu.memory_space<semaphore_mem>>) src(%dma_wait3A_158 : memref<100000x128xf32, #tpu.memory_space<hbm>>) dst(%dma_wait3A_152 : memref<128x128xf32, #tpu.memory_space<vmem>>)
        %add3A_159 = arith.constant 1 : i32
        %add3A_160 = arith.addi %add3A_88, %add3A_159 : i32
        %dma_wait3A_161 = arith.constant 3 : i32
        %dma_wait3A_162 = arith.constant 0 : i32
        %dma_wait3A_163 = arith.constant 0 : i32
        %dma_wait3A_164 = tpu.memref_slice %arg6[%dma_wait3A_161, %dma_wait3A_162, %dma_wait3A_163] : memref<6x128x128xf32, #tpu.memory_space<vmem>> -> memref<1x128x128xf32, #tpu.memory_space<vmem>>
        %dma_wait3A_165 = tpu.memref_squeeze %dma_wait3A_164 : memref<1x128x128xf32, #tpu.memory_space<vmem>> -> memref<128x128xf32, #tpu.memory_space<vmem>>
        %dma_wait3A_166 = arith.constant 0 : i32
        %dma_wait3A_167 = tpu.memref_slice %arg5[%add3A_160, %dma_wait3A_166] : memref<50x128xi32, #tpu.memory_space<vmem>> -> memref<1x128xi32, #tpu.memory_space<vmem>>
        %dma_wait3A_168 = tpu.memref_squeeze %dma_wait3A_167 : memref<1x128xi32, #tpu.memory_space<vmem>> -> memref<128xi32, #tpu.memory_space<vmem>>
        %dma_wait3A_169 = arith.constant 0 : i32
        %dma_wait3A_170 = arith.constant 0 : i32
        %dma_wait3A_171 = tpu.memref_slice %arg3[%dma_wait3A_169, %dma_wait3A_170] : memref<100000x128xf32, #tpu.memory_space<hbm>> -> memref<100000x128xf32, #tpu.memory_space<hbm>>
        tpu.wait_indirect_dma semaphore(%arg10 : memref<!tpu.dma_semaphore, #tpu.memory_space<semaphore_mem>>) src(%dma_wait3A_171 : memref<100000x128xf32, #tpu.memory_space<hbm>>) dst(%dma_wait3A_165 : memref<128x128xf32, #tpu.memory_space<vmem>>)
        %add3A_172 = arith.addi %mul3A_2, %add3A_88 : i32
        %dma_start3A_173 = arith.constant 2 : i32
        %dma_start3A_174 = arith.constant 0 : i32
        %dma_start3A_175 = arith.constant 0 : i32
        %dma_start3A_176 = tpu.memref_slice %arg6[%dma_start3A_173, %dma_start3A_174, %dma_start3A_175] : memref<6x128x128xf32, #tpu.memory_space<vmem>> -> memref<2x128x128xf32, #tpu.memory_space<vmem>>
        %dma_start3A_177 = arith.constant 0 : i32
        %dma_start3A_178 = arith.constant 0 : i32
        %dma_start3A_179 = tpu.memref_slice %arg4[%add3A_172, %dma_start3A_177, %dma_start3A_178] : memref<1600x128x128xf32, #tpu.memory_space<hbm>> -> memref<2x128x128xf32, #tpu.memory_space<hbm>>
        %dma_start3A_180 = arith.constant 0 : i32
        %dma_start3A_181 = arith.constant 0 : i32
        %dma_start3A_182 = tpu.memref_slice %arg4[%add3A_172, %dma_start3A_180, %dma_start3A_181] : memref<1600x128x128xf32, #tpu.memory_space<hbm>> -> memref<2x128x128xf32, #tpu.memory_space<hbm>>
        %dma_start3A_183 = arith.constant 2 : i32
        %dma_start3A_184 = arith.constant 0 : i32
        %dma_start3A_185 = arith.constant 0 : i32
        %dma_start3A_186 = tpu.memref_slice %arg6[%dma_start3A_183, %dma_start3A_184, %dma_start3A_185] : memref<6x128x128xf32, #tpu.memory_space<vmem>> -> memref<2x128x128xf32, #tpu.memory_space<vmem>>
        tpu.enqueue_dma source(%dma_start3A_186 : memref<2x128x128xf32, #tpu.memory_space<vmem>>) target(%dma_start3A_182 : memref<2x128x128xf32, #tpu.memory_space<hbm>>) target_semaphore(%arg14 : memref<!tpu.dma_semaphore, #tpu.memory_space<semaphore_mem>>)
      } else {
      }
      %add3A_94 = arith.constant 4 : i32
      %add3A_95 = arith.addi %add3A_82, %add3A_94 : i32
      %lt3A_96 = arith.constant 50 : i32
      %lt3A_97 = arith.cmpi slt, %add3A_95, %lt3A_96 : i32
      %convert_element_type3A_98 = arith.extui %lt3A_97 : i1 to i32
      %cond3A_99 = arith.constant 0 : i32
      %cond3A_100 = arith.cmpi ne, %convert_element_type3A_98, %cond3A_99 : i32
      scf.if %cond3A_100 {
        %dma_wait3A = arith.constant 4 : i32
        %dma_wait3A_149 = arith.constant 0 : i32
        %dma_wait3A_150 = arith.constant 0 : i32
        %dma_wait3A_151 = tpu.memref_slice %arg6[%dma_wait3A, %dma_wait3A_149, %dma_wait3A_150] : memref<6x128x128xf32, #tpu.memory_space<vmem>> -> memref<1x128x128xf32, #tpu.memory_space<vmem>>
        %dma_wait3A_152 = tpu.memref_squeeze %dma_wait3A_151 : memref<1x128x128xf32, #tpu.memory_space<vmem>> -> memref<128x128xf32, #tpu.memory_space<vmem>>
        %dma_wait3A_153 = arith.constant 0 : i32
        %dma_wait3A_154 = tpu.memref_slice %arg5[%add3A_95, %dma_wait3A_153] : memref<50x128xi32, #tpu.memory_space<vmem>> -> memref<1x128xi32, #tpu.memory_space<vmem>>
        %dma_wait3A_155 = tpu.memref_squeeze %dma_wait3A_154 : memref<1x128xi32, #tpu.memory_space<vmem>> -> memref<128xi32, #tpu.memory_space<vmem>>
        %dma_wait3A_156 = arith.constant 0 : i32
        %dma_wait3A_157 = arith.constant 0 : i32
        %dma_wait3A_158 = tpu.memref_slice %arg3[%dma_wait3A_156, %dma_wait3A_157] : memref<100000x128xf32, #tpu.memory_space<hbm>> -> memref<100000x128xf32, #tpu.memory_space<hbm>>
        tpu.wait_indirect_dma semaphore(%arg11 : memref<!tpu.dma_semaphore, #tpu.memory_space<semaphore_mem>>) src(%dma_wait3A_158 : memref<100000x128xf32, #tpu.memory_space<hbm>>) dst(%dma_wait3A_152 : memref<128x128xf32, #tpu.memory_space<vmem>>)
        %add3A_159 = arith.constant 1 : i32
        %add3A_160 = arith.addi %add3A_95, %add3A_159 : i32
        %dma_wait3A_161 = arith.constant 5 : i32
        %dma_wait3A_162 = arith.constant 0 : i32
        %dma_wait3A_163 = arith.constant 0 : i32
        %dma_wait3A_164 = tpu.memref_slice %arg6[%dma_wait3A_161, %dma_wait3A_162, %dma_wait3A_163] : memref<6x128x128xf32, #tpu.memory_space<vmem>> -> memref<1x128x128xf32, #tpu.memory_space<vmem>>
        %dma_wait3A_165 = tpu.memref_squeeze %dma_wait3A_164 : memref<1x128x128xf32, #tpu.memory_space<vmem>> -> memref<128x128xf32, #tpu.memory_space<vmem>>
        %dma_wait3A_166 = arith.constant 0 : i32
        %dma_wait3A_167 = tpu.memref_slice %arg5[%add3A_160, %dma_wait3A_166] : memref<50x128xi32, #tpu.memory_space<vmem>> -> memref<1x128xi32, #tpu.memory_space<vmem>>
        %dma_wait3A_168 = tpu.memref_squeeze %dma_wait3A_167 : memref<1x128xi32, #tpu.memory_space<vmem>> -> memref<128xi32, #tpu.memory_space<vmem>>
        %dma_wait3A_169 = arith.constant 0 : i32
        %dma_wait3A_170 = arith.constant 0 : i32
        %dma_wait3A_171 = tpu.memref_slice %arg3[%dma_wait3A_169, %dma_wait3A_170] : memref<100000x128xf32, #tpu.memory_space<hbm>> -> memref<100000x128xf32, #tpu.memory_space<hbm>>
        tpu.wait_indirect_dma semaphore(%arg12 : memref<!tpu.dma_semaphore, #tpu.memory_space<semaphore_mem>>) src(%dma_wait3A_171 : memref<100000x128xf32, #tpu.memory_space<hbm>>) dst(%dma_wait3A_165 : memref<128x128xf32, #tpu.memory_space<vmem>>)
        %add3A_172 = arith.addi %mul3A_2, %add3A_95 : i32
        %dma_start3A_173 = arith.constant 4 : i32
        %dma_start3A_174 = arith.constant 0 : i32
        %dma_start3A_175 = arith.constant 0 : i32
        %dma_start3A_176 = tpu.memref_slice %arg6[%dma_start3A_173, %dma_start3A_174, %dma_start3A_175] : memref<6x128x128xf32, #tpu.memory_space<vmem>> -> memref<2x128x128xf32, #tpu.memory_space<vmem>>
        %dma_start3A_177 = arith.constant 0 : i32
        %dma_start3A_178 = arith.constant 0 : i32
        %dma_start3A_179 = tpu.memref_slice %arg4[%add3A_172, %dma_start3A_177, %dma_start3A_178] : memref<1600x128x128xf32, #tpu.memory_space<hbm>> -> memref<2x128x128xf32, #tpu.memory_space<hbm>>
        %dma_start3A_180 = arith.constant 0 : i32
        %dma_start3A_181 = arith.constant 0 : i32
        %dma_start3A_182 = tpu.memref_slice %arg4[%add3A_172, %dma_start3A_180, %dma_start3A_181] : memref<1600x128x128xf32, #tpu.memory_space<hbm>> -> memref<2x128x128xf32, #tpu.memory_space<hbm>>
        %dma_start3A_183 = arith.constant 4 : i32
        %dma_start3A_184 = arith.constant 0 : i32
        %dma_start3A_185 = arith.constant 0 : i32
        %dma_start3A_186 = tpu.memref_slice %arg6[%dma_start3A_183, %dma_start3A_184, %dma_start3A_185] : memref<6x128x128xf32, #tpu.memory_space<vmem>> -> memref<2x128x128xf32, #tpu.memory_space<vmem>>
        tpu.enqueue_dma source(%dma_start3A_186 : memref<2x128x128xf32, #tpu.memory_space<vmem>>) target(%dma_start3A_182 : memref<2x128x128xf32, #tpu.memory_space<hbm>>) target_semaphore(%arg15 : memref<!tpu.dma_semaphore, #tpu.memory_space<semaphore_mem>>)
      } else {
      }
      %add3A_101 = arith.constant 0 : i32
      %add3A_102 = arith.addi %add3A_82, %add3A_101 : i32
      %lt3A_103 = arith.constant 50 : i32
      %lt3A_104 = arith.cmpi slt, %add3A_102, %lt3A_103 : i32
      %convert_element_type3A_105 = arith.extui %lt3A_104 : i1 to i32
      %cond3A_106 = arith.constant 0 : i32
      %cond3A_107 = arith.cmpi ne, %convert_element_type3A_105, %cond3A_106 : i32
      scf.if %cond3A_107 {
        %add3A_149 = arith.addi %mul3A_2, %add3A_102 : i32
        %dma_wait3A = arith.constant 0 : i32
        %dma_wait3A_150 = arith.constant 0 : i32
        %dma_wait3A_151 = arith.constant 0 : i32
        %dma_wait3A_152 = tpu.memref_slice %arg6[%dma_wait3A, %dma_wait3A_150, %dma_wait3A_151] : memref<6x128x128xf32, #tpu.memory_space<vmem>> -> memref<2x128x128xf32, #tpu.memory_space<vmem>>
        %dma_wait3A_153 = arith.constant 0 : i32
        %dma_wait3A_154 = arith.constant 0 : i32
        %dma_wait3A_155 = tpu.memref_slice %arg4[%add3A_149, %dma_wait3A_153, %dma_wait3A_154] : memref<1600x128x128xf32, #tpu.memory_space<hbm>> -> memref<2x128x128xf32, #tpu.memory_space<hbm>>
        %dma_wait3A_156 = arith.constant 0 : i32
        %dma_wait3A_157 = arith.constant 0 : i32
        %dma_wait3A_158 = tpu.memref_slice %arg4[%add3A_149, %dma_wait3A_156, %dma_wait3A_157] : memref<1600x128x128xf32, #tpu.memory_space<hbm>> -> memref<2x128x128xf32, #tpu.memory_space<hbm>>
        %dma_wait3A_159 = arith.constant 0 : i32
        %dma_wait3A_160 = arith.constant 0 : i32
        %dma_wait3A_161 = arith.constant 0 : i32
        %dma_wait3A_162 = tpu.memref_slice %arg6[%dma_wait3A_159, %dma_wait3A_160, %dma_wait3A_161] : memref<6x128x128xf32, #tpu.memory_space<vmem>> -> memref<2x128x128xf32, #tpu.memory_space<vmem>>
        tpu.wait_dma2 semaphore(%arg13 : memref<!tpu.dma_semaphore, #tpu.memory_space<semaphore_mem>>) src(%dma_wait3A_162 : memref<2x128x128xf32, #tpu.memory_space<vmem>>) dst(%dma_wait3A_158 : memref<2x128x128xf32, #tpu.memory_space<hbm>>)
      } else {
      }
      %add3A_108 = arith.constant 6 : i32
      %add3A_109 = arith.addi %add3A_82, %add3A_108 : i32
      %add3A_110 = arith.constant 0 : i32
      %add3A_111 = arith.addi %add3A_109, %add3A_110 : i32
      %lt3A_112 = arith.constant 50 : i32
      %lt3A_113 = arith.cmpi slt, %add3A_111, %lt3A_112 : i32
      %convert_element_type3A_114 = arith.extui %lt3A_113 : i1 to i32
      %cond3A_115 = arith.constant 0 : i32
      %cond3A_116 = arith.cmpi ne, %convert_element_type3A_114, %cond3A_115 : i32
      scf.if %cond3A_116 {
        %dma_start3A_149 = arith.constant 0 : i32
        %dma_start3A_150 = arith.constant 0 : i32
        %dma_start3A_151 = arith.constant 0 : i32
        %dma_start3A_152 = tpu.memref_slice %arg6[%dma_start3A_149, %dma_start3A_150, %dma_start3A_151] : memref<6x128x128xf32, #tpu.memory_space<vmem>> -> memref<1x128x128xf32, #tpu.memory_space<vmem>>
        %dma_start3A_153 = tpu.memref_squeeze %dma_start3A_152 : memref<1x128x128xf32, #tpu.memory_space<vmem>> -> memref<128x128xf32, #tpu.memory_space<vmem>>
        %dma_start3A_154 = arith.constant 0 : i32
        %dma_start3A_155 = tpu.memref_slice %arg5[%add3A_111, %dma_start3A_154] : memref<50x128xi32, #tpu.memory_space<vmem>> -> memref<1x128xi32, #tpu.memory_space<vmem>>
        %dma_start3A_156 = tpu.memref_squeeze %dma_start3A_155 : memref<1x128xi32, #tpu.memory_space<vmem>> -> memref<128xi32, #tpu.memory_space<vmem>>
        %dma_start3A_157 = arith.constant 0 : i32
        %dma_start3A_158 = arith.constant 0 : i32
        %dma_start3A_159 = tpu.memref_slice %arg3[%dma_start3A_157, %dma_start3A_158] : memref<100000x128xf32, #tpu.memory_space<hbm>> -> memref<100000x128xf32, #tpu.memory_space<hbm>>
        tpu.enqueue_indirect_dma source(%dma_start3A_159 : memref<100000x128xf32, #tpu.memory_space<hbm>>) target(%dma_start3A_153 : memref<128x128xf32, #tpu.memory_space<vmem>>) offsets(%dma_start3A_156 : memref<128xi32, #tpu.memory_space<vmem>>) semaphore(%arg7 : memref<!tpu.dma_semaphore, #tpu.memory_space<semaphore_mem>>)
        %add3A_160 = arith.constant 1 : i32
        %add3A_161 = arith.addi %add3A_111, %add3A_160 : i32
        %dma_start3A_162 = arith.constant 1 : i32
        %dma_start3A_163 = arith.constant 0 : i32
        %dma_start3A_164 = arith.constant 0 : i32
        %dma_start3A_165 = tpu.memref_slice %arg6[%dma_start3A_162, %dma_start3A_163, %dma_start3A_164] : memref<6x128x128xf32, #tpu.memory_space<vmem>> -> memref<1x128x128xf32, #tpu.memory_space<vmem>>
        %dma_start3A_166 = tpu.memref_squeeze %dma_start3A_165 : memref<1x128x128xf32, #tpu.memory_space<vmem>> -> memref<128x128xf32, #tpu.memory_space<vmem>>
        %dma_start3A_167 = arith.constant 0 : i32
        %dma_start3A_168 = tpu.memref_slice %arg5[%add3A_161, %dma_start3A_167] : memref<50x128xi32, #tpu.memory_space<vmem>> -> memref<1x128xi32, #tpu.memory_space<vmem>>
        %dma_start3A_169 = tpu.memref_squeeze %dma_start3A_168 : memref<1x128xi32, #tpu.memory_space<vmem>> -> memref<128xi32, #tpu.memory_space<vmem>>
        %dma_start3A_170 = arith.constant 0 : i32
        %dma_start3A_171 = arith.constant 0 : i32
        %dma_start3A_172 = tpu.memref_slice %arg3[%dma_start3A_170, %dma_start3A_171] : memref<100000x128xf32, #tpu.memory_space<hbm>> -> memref<100000x128xf32, #tpu.memory_space<hbm>>
        tpu.enqueue_indirect_dma source(%dma_start3A_172 : memref<100000x128xf32, #tpu.memory_space<hbm>>) target(%dma_start3A_166 : memref<128x128xf32, #tpu.memory_space<vmem>>) offsets(%dma_start3A_169 : memref<128xi32, #tpu.memory_space<vmem>>) semaphore(%arg8 : memref<!tpu.dma_semaphore, #tpu.memory_space<semaphore_mem>>)
      } else {
      }
      %add3A_117 = arith.constant 2 : i32
      %add3A_118 = arith.addi %add3A_82, %add3A_117 : i32
      %lt3A_119 = arith.constant 50 : i32
      %lt3A_120 = arith.cmpi slt, %add3A_118, %lt3A_119 : i32
      %convert_element_type3A_121 = arith.extui %lt3A_120 : i1 to i32
      %cond3A_122 = arith.constant 0 : i32
      %cond3A_123 = arith.cmpi ne, %convert_element_type3A_121, %cond3A_122 : i32
      scf.if %cond3A_123 {
        %add3A_149 = arith.addi %mul3A_2, %add3A_118 : i32
        %dma_wait3A = arith.constant 2 : i32
        %dma_wait3A_150 = arith.constant 0 : i32
        %dma_wait3A_151 = arith.constant 0 : i32
        %dma_wait3A_152 = tpu.memref_slice %arg6[%dma_wait3A, %dma_wait3A_150, %dma_wait3A_151] : memref<6x128x128xf32, #tpu.memory_space<vmem>> -> memref<2x128x128xf32, #tpu.memory_space<vmem>>
        %dma_wait3A_153 = arith.constant 0 : i32
        %dma_wait3A_154 = arith.constant 0 : i32
        %dma_wait3A_155 = tpu.memref_slice %arg4[%add3A_149, %dma_wait3A_153, %dma_wait3A_154] : memref<1600x128x128xf32, #tpu.memory_space<hbm>> -> memref<2x128x128xf32, #tpu.memory_space<hbm>>
        %dma_wait3A_156 = arith.constant 0 : i32
        %dma_wait3A_157 = arith.constant 0 : i32
        %dma_wait3A_158 = tpu.memref_slice %arg4[%add3A_149, %dma_wait3A_156, %dma_wait3A_157] : memref<1600x128x128xf32, #tpu.memory_space<hbm>> -> memref<2x128x128xf32, #tpu.memory_space<hbm>>
        %dma_wait3A_159 = arith.constant 2 : i32
        %dma_wait3A_160 = arith.constant 0 : i32
        %dma_wait3A_161 = arith.constant 0 : i32
        %dma_wait3A_162 = tpu.memref_slice %arg6[%dma_wait3A_159, %dma_wait3A_160, %dma_wait3A_161] : memref<6x128x128xf32, #tpu.memory_space<vmem>> -> memref<2x128x128xf32, #tpu.memory_space<vmem>>
        tpu.wait_dma2 semaphore(%arg14 : memref<!tpu.dma_semaphore, #tpu.memory_space<semaphore_mem>>) src(%dma_wait3A_162 : memref<2x128x128xf32, #tpu.memory_space<vmem>>) dst(%dma_wait3A_158 : memref<2x128x128xf32, #tpu.memory_space<hbm>>)
      } else {
      }
      %add3A_124 = arith.constant 6 : i32
      %add3A_125 = arith.addi %add3A_82, %add3A_124 : i32
      %add3A_126 = arith.constant 2 : i32
      %add3A_127 = arith.addi %add3A_125, %add3A_126 : i32
      %lt3A_128 = arith.constant 50 : i32
      %lt3A_129 = arith.cmpi slt, %add3A_127, %lt3A_128 : i32
      %convert_element_type3A_130 = arith.extui %lt3A_129 : i1 to i32
      %cond3A_131 = arith.constant 0 : i32
      %cond3A_132 = arith.cmpi ne, %convert_element_type3A_130, %cond3A_131 : i32
      scf.if %cond3A_132 {
        %dma_start3A_149 = arith.constant 2 : i32
        %dma_start3A_150 = arith.constant 0 : i32
        %dma_start3A_151 = arith.constant 0 : i32
        %dma_start3A_152 = tpu.memref_slice %arg6[%dma_start3A_149, %dma_start3A_150, %dma_start3A_151] : memref<6x128x128xf32, #tpu.memory_space<vmem>> -> memref<1x128x128xf32, #tpu.memory_space<vmem>>
        %dma_start3A_153 = tpu.memref_squeeze %dma_start3A_152 : memref<1x128x128xf32, #tpu.memory_space<vmem>> -> memref<128x128xf32, #tpu.memory_space<vmem>>
        %dma_start3A_154 = arith.constant 0 : i32
        %dma_start3A_155 = tpu.memref_slice %arg5[%add3A_127, %dma_start3A_154] : memref<50x128xi32, #tpu.memory_space<vmem>> -> memref<1x128xi32, #tpu.memory_space<vmem>>
        %dma_start3A_156 = tpu.memref_squeeze %dma_start3A_155 : memref<1x128xi32, #tpu.memory_space<vmem>> -> memref<128xi32, #tpu.memory_space<vmem>>
        %dma_start3A_157 = arith.constant 0 : i32
        %dma_start3A_158 = arith.constant 0 : i32
        %dma_start3A_159 = tpu.memref_slice %arg3[%dma_start3A_157, %dma_start3A_158] : memref<100000x128xf32, #tpu.memory_space<hbm>> -> memref<100000x128xf32, #tpu.memory_space<hbm>>
        tpu.enqueue_indirect_dma source(%dma_start3A_159 : memref<100000x128xf32, #tpu.memory_space<hbm>>) target(%dma_start3A_153 : memref<128x128xf32, #tpu.memory_space<vmem>>) offsets(%dma_start3A_156 : memref<128xi32, #tpu.memory_space<vmem>>) semaphore(%arg9 : memref<!tpu.dma_semaphore, #tpu.memory_space<semaphore_mem>>)
        %add3A_160 = arith.constant 1 : i32
        %add3A_161 = arith.addi %add3A_127, %add3A_160 : i32
        %dma_start3A_162 = arith.constant 3 : i32
        %dma_start3A_163 = arith.constant 0 : i32
        %dma_start3A_164 = arith.constant 0 : i32
        %dma_start3A_165 = tpu.memref_slice %arg6[%dma_start3A_162, %dma_start3A_163, %dma_start3A_164] : memref<6x128x128xf32, #tpu.memory_space<vmem>> -> memref<1x128x128xf32, #tpu.memory_space<vmem>>
        %dma_start3A_166 = tpu.memref_squeeze %dma_start3A_165 : memref<1x128x128xf32, #tpu.memory_space<vmem>> -> memref<128x128xf32, #tpu.memory_space<vmem>>
        %dma_start3A_167 = arith.constant 0 : i32
        %dma_start3A_168 = tpu.memref_slice %arg5[%add3A_161, %dma_start3A_167] : memref<50x128xi32, #tpu.memory_space<vmem>> -> memref<1x128xi32, #tpu.memory_space<vmem>>
        %dma_start3A_169 = tpu.memref_squeeze %dma_start3A_168 : memref<1x128xi32, #tpu.memory_space<vmem>> -> memref<128xi32, #tpu.memory_space<vmem>>
        %dma_start3A_170 = arith.constant 0 : i32
        %dma_start3A_171 = arith.constant 0 : i32
        %dma_start3A_172 = tpu.memref_slice %arg3[%dma_start3A_170, %dma_start3A_171] : memref<100000x128xf32, #tpu.memory_space<hbm>> -> memref<100000x128xf32, #tpu.memory_space<hbm>>
        tpu.enqueue_indirect_dma source(%dma_start3A_172 : memref<100000x128xf32, #tpu.memory_space<hbm>>) target(%dma_start3A_166 : memref<128x128xf32, #tpu.memory_space<vmem>>) offsets(%dma_start3A_169 : memref<128xi32, #tpu.memory_space<vmem>>) semaphore(%arg10 : memref<!tpu.dma_semaphore, #tpu.memory_space<semaphore_mem>>)
      } else {
      }
      %add3A_133 = arith.constant 4 : i32
      %add3A_134 = arith.addi %add3A_82, %add3A_133 : i32
      %lt3A_135 = arith.constant 50 : i32
      %lt3A_136 = arith.cmpi slt, %add3A_134, %lt3A_135 : i32
      %convert_element_type3A_137 = arith.extui %lt3A_136 : i1 to i32
      %cond3A_138 = arith.constant 0 : i32
      %cond3A_139 = arith.cmpi ne, %convert_element_type3A_137, %cond3A_138 : i32
      scf.if %cond3A_139 {
        %add3A_149 = arith.addi %mul3A_2, %add3A_134 : i32
        %dma_wait3A = arith.constant 4 : i32
        %dma_wait3A_150 = arith.constant 0 : i32
        %dma_wait3A_151 = arith.constant 0 : i32
        %dma_wait3A_152 = tpu.memref_slice %arg6[%dma_wait3A, %dma_wait3A_150, %dma_wait3A_151] : memref<6x128x128xf32, #tpu.memory_space<vmem>> -> memref<2x128x128xf32, #tpu.memory_space<vmem>>
        %dma_wait3A_153 = arith.constant 0 : i32
        %dma_wait3A_154 = arith.constant 0 : i32
        %dma_wait3A_155 = tpu.memref_slice %arg4[%add3A_149, %dma_wait3A_153, %dma_wait3A_154] : memref<1600x128x128xf32, #tpu.memory_space<hbm>> -> memref<2x128x128xf32, #tpu.memory_space<hbm>>
        %dma_wait3A_156 = arith.constant 0 : i32
        %dma_wait3A_157 = arith.constant 0 : i32
        %dma_wait3A_158 = tpu.memref_slice %arg4[%add3A_149, %dma_wait3A_156, %dma_wait3A_157] : memref<1600x128x128xf32, #tpu.memory_space<hbm>> -> memref<2x128x128xf32, #tpu.memory_space<hbm>>
        %dma_wait3A_159 = arith.constant 4 : i32
        %dma_wait3A_160 = arith.constant 0 : i32
        %dma_wait3A_161 = arith.constant 0 : i32
        %dma_wait3A_162 = tpu.memref_slice %arg6[%dma_wait3A_159, %dma_wait3A_160, %dma_wait3A_161] : memref<6x128x128xf32, #tpu.memory_space<vmem>> -> memref<2x128x128xf32, #tpu.memory_space<vmem>>
        tpu.wait_dma2 semaphore(%arg15 : memref<!tpu.dma_semaphore, #tpu.memory_space<semaphore_mem>>) src(%dma_wait3A_162 : memref<2x128x128xf32, #tpu.memory_space<vmem>>) dst(%dma_wait3A_158 : memref<2x128x128xf32, #tpu.memory_space<hbm>>)
      } else {
      }
      %add3A_140 = arith.constant 6 : i32
      %add3A_141 = arith.addi %add3A_82, %add3A_140 : i32
      %add3A_142 = arith.constant 4 : i32
      %add3A_143 = arith.addi %add3A_141, %add3A_142 : i32
      %lt3A_144 = arith.constant 50 : i32
      %lt3A_145 = arith.cmpi slt, %add3A_143, %lt3A_144 : i32
      %convert_element_type3A_146 = arith.extui %lt3A_145 : i1 to i32
      %cond3A_147 = arith.constant 0 : i32
      %cond3A_148 = arith.cmpi ne, %convert_element_type3A_146, %cond3A_147 : i32
      scf.if %cond3A_148 {
        %dma_start3A_149 = arith.constant 4 : i32
        %dma_start3A_150 = arith.constant 0 : i32
        %dma_start3A_151 = arith.constant 0 : i32
        %dma_start3A_152 = tpu.memref_slice %arg6[%dma_start3A_149, %dma_start3A_150, %dma_start3A_151] : memref<6x128x128xf32, #tpu.memory_space<vmem>> -> memref<1x128x128xf32, #tpu.memory_space<vmem>>
        %dma_start3A_153 = tpu.memref_squeeze %dma_start3A_152 : memref<1x128x128xf32, #tpu.memory_space<vmem>> -> memref<128x128xf32, #tpu.memory_space<vmem>>
        %dma_start3A_154 = arith.constant 0 : i32
        %dma_start3A_155 = tpu.memref_slice %arg5[%add3A_143, %dma_start3A_154] : memref<50x128xi32, #tpu.memory_space<vmem>> -> memref<1x128xi32, #tpu.memory_space<vmem>>
        %dma_start3A_156 = tpu.memref_squeeze %dma_start3A_155 : memref<1x128xi32, #tpu.memory_space<vmem>> -> memref<128xi32, #tpu.memory_space<vmem>>
        %dma_start3A_157 = arith.constant 0 : i32
        %dma_start3A_158 = arith.constant 0 : i32
        %dma_start3A_159 = tpu.memref_slice %arg3[%dma_start3A_157, %dma_start3A_158] : memref<100000x128xf32, #tpu.memory_space<hbm>> -> memref<100000x128xf32, #tpu.memory_space<hbm>>
        tpu.enqueue_indirect_dma source(%dma_start3A_159 : memref<100000x128xf32, #tpu.memory_space<hbm>>) target(%dma_start3A_153 : memref<128x128xf32, #tpu.memory_space<vmem>>) offsets(%dma_start3A_156 : memref<128xi32, #tpu.memory_space<vmem>>) semaphore(%arg11 : memref<!tpu.dma_semaphore, #tpu.memory_space<semaphore_mem>>)
        %add3A_160 = arith.constant 1 : i32
        %add3A_161 = arith.addi %add3A_143, %add3A_160 : i32
        %dma_start3A_162 = arith.constant 5 : i32
        %dma_start3A_163 = arith.constant 0 : i32
        %dma_start3A_164 = arith.constant 0 : i32
        %dma_start3A_165 = tpu.memref_slice %arg6[%dma_start3A_162, %dma_start3A_163, %dma_start3A_164] : memref<6x128x128xf32, #tpu.memory_space<vmem>> -> memref<1x128x128xf32, #tpu.memory_space<vmem>>
        %dma_start3A_166 = tpu.memref_squeeze %dma_start3A_165 : memref<1x128x128xf32, #tpu.memory_space<vmem>> -> memref<128x128xf32, #tpu.memory_space<vmem>>
        %dma_start3A_167 = arith.constant 0 : i32
        %dma_start3A_168 = tpu.memref_slice %arg5[%add3A_161, %dma_start3A_167] : memref<50x128xi32, #tpu.memory_space<vmem>> -> memref<1x128xi32, #tpu.memory_space<vmem>>
        %dma_start3A_169 = tpu.memref_squeeze %dma_start3A_168 : memref<1x128xi32, #tpu.memory_space<vmem>> -> memref<128xi32, #tpu.memory_space<vmem>>
        %dma_start3A_170 = arith.constant 0 : i32
        %dma_start3A_171 = arith.constant 0 : i32
        %dma_start3A_172 = tpu.memref_slice %arg3[%dma_start3A_170, %dma_start3A_171] : memref<100000x128xf32, #tpu.memory_space<hbm>> -> memref<100000x128xf32, #tpu.memory_space<hbm>>
        tpu.enqueue_indirect_dma source(%dma_start3A_172 : memref<100000x128xf32, #tpu.memory_space<hbm>>) target(%dma_start3A_166 : memref<128x128xf32, #tpu.memory_space<vmem>>) offsets(%dma_start3A_169 : memref<128xi32, #tpu.memory_space<vmem>>) semaphore(%arg12 : memref<!tpu.dma_semaphore, #tpu.memory_space<semaphore_mem>>)
      } else {
      }
    }
    %scan3A_77 = arith.constant 9 : i32
    return
  }
}

</mosaic_0001>

<sc_bundles>
// kernel: kernel.3.cloned.1.call-start
scs
__scs_entry_jumppad:
0x0: {  	(pc) =	sbr.rel $0x88, $3  }
0x1: {  	(tag) =	ssettag $0x0;
	lr =	simm.s32 $0x1  }
0x2: {  	[smem:$0x3F9F] =	sst lr;
	_ =	strace $0xD0000000  }
0x3: {  	_ = 	snop  }
0x4: {  	_ = 	snop  }
0x5: {  	_ = 	snop  }
0x6: {  	_ = 	snop  }
0x7: {  	_ = 	snop  }
__scs_overlays_trampoline_lowered:
0x8: {  	[smem:$0x3FAE] =	sst s0  }
0x9: {  	[smem:$0x3FAF] =	sst s1  }
0xa: {  	[smem:$0x3FB0] =	sst s2  }
0xb: {  	[smem:$0x3FB1] =	sst s3  }
0xc: {  	[smem:$0x3FB2] =	sst s4  }
0xd: {  	[smem:$0x3FB3] =	sst s5  }
0xe: {  	[smem:$0x3FB4] =	sst s6  }
0xf: {  	[smem:$0x3FB5] =	sst s7  }
0x10: {  	[smem:$0x3FB6] =	sst s8  }
0x11: {  	[smem:$0x3FB7] =	sst s9;
	s0 =	simm.s32 @!p0 $0x0  }
0x12: {  	s1 =	sld [smem:$0x3F9D];
	s0 =	simm.s32 @p0 $0x1  }
0x13: {  	[smem:$0x3FB8] =	sst s0;
	s0 =	simm.s32 @!p1 $0x0  }
0x14: {  	s2 =	sld [smem:$0x3F9C];
	s0 =	simm.s32 @p1 $0x1  }
0x15: {  	[smem:$0x3FB9] =	sst s0;
	s0 =	simm.s32 @!p2 $0x0  }
0x16: {  	s3 =	sld [smem:$0x3FDB];
	s0 =	simm.s32 @p2 $0x1  }
0x17: {  	s4 =	simm.s32 $0x1BF5;
	[smem:$0x3FBB] =	sst s0  }
0x18: {  	s0 =	sld [smem:$0x3F9E];
	_ =	swait.ge [sflag:s4], $0x0  }
0x19: {  	s7 =	sld [smem:$0x3F9F]  }
0x1a: {  	s8 =	sadd.s32 $0xFFFFE003, lr  }
0x1b: {  	s9 =	sadd.s32 $0xFFFFFEF7, lr;
	s5 =	simm.s32 $0xFFFFFFFF;
	p2 =	slt.u32 s8, $0xFFFFF086  }
0x1c: {  	p1 =	slt.u32 s9, $0xF7A;
	s5 =	simm.s32 @!p2 $0x0  }
0x1d: {  	s5 =	simm.s32 @p1 $0x1;
	p0 =	seq.s32 s7, s2  }
0x1e: {  	s7 =	smul.u32 @!p0 $0xF7A, s2;
	p2 =	seq.s32 @!p0 s5, $0x0  }
0x1f: {  	s9 =	smul.u32 $0xF7A, s1;
	s8 =	simm.s32 @!p0 $0x1BF5;
	p2 =	por !p2, p0  }
0x20: {  	[sflag:s8] =	ssyncset.s32 @!p0 $0xFFFFF086;
	s6 =	sadd.s32 @!p0 s3, s7;
	s7 =	simm.s32 @!p0 $0x108  }
0x21: {  	s3 =	sadd.s32 s3, s9;
	s6 =	sadd.s32 @!p0 $0x88, s6;
	s7 =	simm.s32 @p2 $0x1082  }
0x22: {  	[simem:s7], [sflag:s8] =	dma.local @!p0 [hbm:s6], $0xF7A  }
0x23: {  	s9 =	sor.u32 $0xD0000000, s2;
	s6 =	simm.s32 $0x108;
	_ =	swait.ge @!p0 [sflag:s8], $0x0  }
0x24: {  	s3 =	sadd.s32 $0x88, s3;
	s6 =	simm.s32 @!p1 $0x1082;
	[sflag:s4] =	ssyncset.s32 $0xFFFFF086  }
0x25: {  	[simem:s6], [sflag:s4] =	dma.local [hbm:s3], $0xF7A  }
0x26: {  	[smem:$0x3F9F] =	sst s1;
	(tag) =	ssettag s2;
	_ =	strace s9  }
0x27: {  	s1 =	sld [smem:$0x3FAF]  }
0x28: {  	s2 =	sld [smem:$0x3FB0]  }
0x29: {  	s4 =	sld [smem:$0x3FB2]  }
0x2a: {  	p0 =	seq.s32 s5, $0x0;
	s5 =	sld [smem:$0x3FB3]  }
0x2b: {  	s6 =	sld [smem:$0x3FB4]  }
0x2c: {  	s7 =	sld [smem:$0x3FB5]  }
0x2d: {  	s3 =	simm.s32 $0x108;
	s8 =	sld [smem:$0x3FB6]  }
0x2e: {  	s3 =	simm.s32 @!p0 $0x1082;
	s9 =	sld [smem:$0x3FB7]  }
0x2f: {  	lr =	sadd.s32 s0, s3;
	s0 =	sld [smem:$0x3FAE]  }
0x30: {  	s3 =	sld [smem:$0x3FB1]  }
0x31: {  	[smem:$0x3FBA] =	sst s10  }
0x32: {  	s10 =	sld [smem:$0x3FB8];
	_ =	sdelay $0x3  }
0x33: {  	p0 =	seq.s32 s10, $0x1;
	s10 =	sld [smem:$0x3FBA];
	_ =	sdelay $0x3  }
0x34: {  	[smem:$0x3FBA] =	sst s10  }
0x35: {  	s10 =	sld [smem:$0x3FB9];
	_ =	sdelay $0x3  }
0x36: {  	p1 =	seq.s32 s10, $0x1;
	s10 =	sld [smem:$0x3FBA];
	_ =	sdelay $0x3  }
0x37: {  	[smem:$0x3FBA] =	sst s10  }
0x38: {  	s10 =	sld [smem:$0x3FBB]  }
0x39: {  	_ = 	snop;
	(pc) =	sbr.ind lr, $3  }
0x3a: {  	_ = 	snop  }
0x3b: {  	_ = 	snop  }
0x3c: {  	p2 =	seq.s32 s10, $0x1;
	s10 =	sld [smem:$0x3FBA]  }
0x3d: {  	_ =	shalt  }
0x3e: {  	_ =	shalt  }
0x3f: {  	_ =	shalt  }
0x40: {  	_ =	shalt  }
0x41: {  	_ =	shalt  }
0x42: {  	_ =	shalt  }
0x43: {  	_ =	shalt  }
0x44: {  	_ =	shalt  }
0x45: {  	_ =	shalt  }
0x46: {  	_ =	shalt  }
0x47: {  	_ =	shalt  }
0x48: {  	_ =	shalt  }
0x49: {  	_ =	shalt  }
0x4a: {  	_ =	shalt  }
0x4b: {  	_ =	shalt  }
0x4c: {  	_ =	shalt  }
0x4d: {  	_ =	shalt  }
0x4e: {  	_ =	shalt  }
0x4f: {  	_ =	shalt  }
0x50: {  	_ =	shalt  }
0x51: {  	_ =	shalt  }
0x52: {  	_ =	shalt  }
0x53: {  	_ =	shalt  }
0x54: {  	_ =	shalt  }
0x55: {  	_ =	shalt  }
0x56: {  	_ =	shalt  }
0x57: {  	_ =	shalt  }
0x58: {  	_ =	shalt  }
0x59: {  	_ =	shalt  }
0x5a: {  	_ =	shalt  }
0x5b: {  	_ =	shalt  }
0x5c: {  	_ =	shalt  }
0x5d: {  	_ =	shalt  }
0x5e: {  	_ =	shalt  }
0x5f: {  	_ =	shalt  }
0x60: {  	_ =	shalt  }
0x61: {  	_ =	shalt  }
0x62: {  	_ =	shalt  }
0x63: {  	_ =	shalt  }
0x64: {  	_ =	shalt  }
0x65: {  	_ =	shalt  }
0x66: {  	_ =	shalt  }
0x67: {  	_ =	shalt  }
0x68: {  	_ =	shalt  }
0x69: {  	_ =	shalt  }
0x6a: {  	_ =	shalt  }
0x6b: {  	_ =	shalt  }
0x6c: {  	_ =	shalt  }
0x6d: {  	_ =	shalt  }
0x6e: {  	_ =	shalt  }
0x6f: {  	_ =	shalt  }
0x70: {  	_ =	shalt  }
0x71: {  	_ =	shalt  }
0x72: {  	_ =	shalt  }
0x73: {  	_ =	shalt  }
0x74: {  	_ =	shalt  }
0x75: {  	_ =	shalt  }
0x76: {  	_ =	shalt  }
0x77: {  	_ =	shalt  }
0x78: {  	_ =	shalt  }
0x79: {  	_ =	shalt  }
0x7a: {  	_ =	shalt  }
0x7b: {  	_ =	shalt  }
0x7c: {  	_ =	shalt  }
0x7d: {  	_ =	shalt  }
0x7e: {  	_ =	shalt  }
0x7f: {  	_ =	shalt  }
0x80: {  	_ =	shalt  }
0x81: {  	_ =	shalt  }
0x82: {  	_ =	shalt  }
0x83: {  	_ =	shalt  }
0x84: {  	_ =	shalt  }
0x85: {  	_ =	shalt  }
0x86: {  	_ =	shalt  }
0x87: {  	_ =	shalt  }
.Lfunc_end0:
.L_simem_size_0:
called_computation_lowered:
.L_overlay_start_0:
0x88: {  	s2 =	sld [smem:$0x3FD9]  }
0x89: {  	s3 =	sld [smem:$0x3FFE];
	_ =	sdelay $0x1  }
0x8a: {  	s1 =	srdreg.scid  }
0x8b: {  	s0 =	sand.u32 $0x1, s1  }
0x8c: {  	s17 =	sshll.u32 s0, $0xA;
	s2 =	sadd.s32 s3, s2  }
0x8d: {  	s2 =	sadd.s32 s2, s17  }
0x8e: {  	[smem:$0x3FC6] =	sst s2  }
0x8f: {  	_ = 	snop  }
0x90: {  	s2 =	sld [smem:$0x3FC8]  }
0x91: {  	s18 =	sld [smem:$0x3FD0];
	(tm) =	ssettm $0x1  }
0x92: {  	s4 =	sld [smem:$0x3FFB];
	_ =	sdelay $0x3  }
0x93: {  	_ =	strace s4  }
0x94: {  	s4 =	sld [smem:$0x3FFC];
	_ =	sdelay $0x3  }
0x95: {  	_ =	strace s4  }
0x96: {  	s4 =	sld [smem:$0x3FFD];
	_ =	sdelay $0x3  }
0x97: {  	_ =	strace s4  }
0x98: {  	_ =	strace $0x8FFFFFFF  }
0x99: {  	s19 =	sld [smem:$0x3FDB];
	_ =	sdelay $0x1  }
0x9a: {  	s5 =	simm.s32 $_scs_section_size  }
0x9b: {  	s6 =	simm.s32 $_size__tile_overlayer_lowered;
	s7 =	simm.s32 $_tile_overlayer_lowered  }
0x9c: {  	s22 =	simm.s32 $0x1BFF;
	s21 =	sshll.u32 s7, $0x1;
	s4 =	sadd.s32 s5, s19  }
0x9d: {  	s8 =	simm.s32 $0x0;
	s20 =	sshll.u32 s6, $0x1;
	s6 =	sadd.s32 s21, s4  }
0x9e: {  	[timem:s8], [sflag:s22] =	dma.local [hbm:s6], s20  }
0x9f: {  	_ =	swait.ge [sflag:s22], s20  }
0xa0: {  	s5 =	ssub.s32 $0x0, s20;
	[sflag:s22] =	ssyncset.done $0x0  }
0xa1: {  	[sflag:s22] =	ssyncadd.s32 s5;
	_ =	sdelay $0x1  }
0xa2: {  	s23 =	simm.s32 $0x1B8B  }
0xa3: {  	_ =	swait.ge [sflag:s23], $0x1  }
0xa4: {  	[sflag:s23] =	ssyncset.done $0x0  }
0xa5: {  	s25 =	simm.s32 $0x1B8E;
	s24 =	sld [smem:$0x3FFE];
	[sflag:s23] =	ssyncadd.s32 $0xFFFFFFFF  }
0xa6: {  	s26 =	simm.s32 $execute0_lowered;
	[smem:$0x3FD2] =	sst s25  }
0xa7: {  	s6 =	sshll.u32 s26, $0x1;
	_ =	strace $0x80000046;
	[dreg:$0x1] =	wrdreg $0xFFFFFFFF  }
0xa8: {  	s28 =	simm.s32 $_size_execute0_lowered;
	s4 =	sadd.s32 s4, s6;
	[dreg:$0x0] =	wrdreg $0x0  }
0xa9: {  	s6 =	sshll.u32 s28, $0x1;
	[dreg:$0x2] =	wrdreg s4  }
0xaa: {  	[dreg:$0x3] =	wrdreg s6  }
0xab: {  	[dreg:$0x4] =	wrdreg $0xC0  }
0xac: {  	_ =	task [dreg:s8], $0x5FFFF  }
0xad: {  	[dreg:$0x1] =	wrdreg $0xFFFFFFFF  }
0xae: {  	[dreg:$0x0] =	wrdreg $0x60  }
0xaf: {  	[dreg:$0x2] =	wrdreg s24  }
0xb0: {  	[dreg:$0x3] =	wrdreg s2  }
0xb1: {  	[dreg:$0x4] =	wrdreg s18  }
0xb2: {  	[dreg:$0x5] =	wrdreg $0x9  }
0xb3: {  	_ =	task.clear_ibuf [dreg:s8], $0x6FFFF;
	_ =	strace $0x90000046  }
0xb4: {  	s29 =	simm.s32 $0x9;
	_ =	strace $0x80000048  }
0xb5: {  	_ =	swait.ge [sflag:s29], $0x1  }
0xb6: {  	[sflag:s29] =	ssyncadd.s32 $0xFFFFFFFF  }
0xb7: {  	_ =	strace $0x90000048  }
0xb8: {  	_ =	sfence  }
0xb9: {  	s30 =	sld [smem:$0x0];
	_ =	sdelay $0x2  }
0xba: {  	s31 =	sshll.u32 s1, $0xD;
	s1 =	sshrl.u32 s1, $0x2  }
0xbb: {  	s3 =	sand.u32 $0x4000, s31;
	s1 =	sadd.s32 s1, s30  }
0xbc: {  	s0 =	sor.u32 s3, s0;
	s1 =	sshll.u32 s1, $0x11  }
0xbd: {  	s0 =	sor.u32 s1, s0  }
0xbe: {  	s0 =	sadd.s32 $0x8F2B, s0  }
0xbf: {  	[sflag:s0] =	ssyncadd.remote.s32 $0x1  }
0xc0: {  	_ =	sfence.sel $0xFFFF  }
0xc1: {  	[dreg:$0x0] =	wrdreg $0xFFFFFFFF;
	(pc) =	sbr.abs _section_cstart, $3  }
0xc2: {  	[dreg:$0x1] =	wrdreg $0xFFFFFFFF  }
0xc3: {  	_ =	task.clear_ibuf [dreg:s8], $0x2FFFF;
	_ =	strace $0x9FFFFFFF  }
0xc4: {  	(tm) =	ssettm $0x7FFFFFFF  }
0xc5: {  	_ =	shalt  }
tec
execute0_lowered:
.L_overlay_start_1:
0x0: {  	(tag) =	ssettag $0x1  }
0x1: {  	s1 =	rddreg [dreg:$0x0]  }
0x2: {  	s0 =	srdreg.scid;
	s2 =	rddreg [dreg:$0x1]  }
0x3: {  	s9 =	stileid.u32;
	s6 =	rddreg [dreg:$0x2];
	s10 =	simm.s32 $0x80  }
0x4: {  	s11 =	simm.s32 $0x1C00;
	s12 =	simm.s32 $0x5C00;
	s14 =	simm.s32 $0x9C00  }
0x5: {  	s18 =	simm.s32 $0x11C00;
	s21 =	simm.s32 $0x1;
	s22 =	simm.s32 $0x2  }
0x6: {  	s23 =	simm.s32 $0x7;
	s28 =	simm.s32 $0x6;
	s29 =	simm.s32 $0x8  }
0x7: {  	s30 =	simm.s32 $0x0;
	s0 =	sand.u32 $0x1, s0;
	s5 =	smul.u32 $0x64, s9  }
0x8: {  	s3 =	sshll.u32 s9, $0x1;
	s25 =	smul.u32 $0x32000, s9;
	s9 =	simm.s32 $0xA  }
0x9: {  	s3 =	sor.u32 s0, s3;
	s7 =	ssub.s32 $0x2, s0;
	s8 =	smul.u32 $0x32, s0  }
0xa: {  	s4 =	smul.u32 $0x380, s3;
	s3 =	simm.s32 $0x0;
	s24 =	sshrl.u32 s7, $0x1  }
0xb: {  	s31 =	smul.u32 $0x19000, s0;
	[smem:$0x7FF] =	sst s3;
	s7 =	ssub.s32 s7, s24  }
.Ltmp0:
0xc: {  	s5 =	sadd.s32 s8, s5;
	s24 =	simm.s32 $0x3;
	(pc) =	sbr.rel .LBB2_1-.Ltmp0, $4  }
0xd: {  	_ =	strace $0x80000047;
	s1 =	sadd.s32 s4, s1;
	s26 =	sshll.u32 s5, $0xB  }
0xe: {  	s5 =	smax.u32 s7, $0x1;
	s4 =	sadd.s32 $0x400, s1;
	s1 =	sadd.s32 s6, s26  }
0xf: {  	s6 =	sadd.s32 s25, s6;
	s25 =	simm.s32 $0x4;
	s26 =	simm.s32 $0x5  }
0x10: {  	s0 =	sadd.s32 $0x2000, s1;
	s1 =	sadd.s32 $0x1000, s1;
	s8 =	sadd.s32 s31, s6  }
.LBB2_6:
0x11: {  	_ =	swait.ge [sflag:s23], $0x8000  }
0x12: {  	[sflag:s23] =	ssyncset.done $0x0  }
0x13: {  	[sflag:s23] =	ssyncadd.s32 $0xFFFF8000  }
.LBB2_4:
0x14: {  	s30 =	sadd.s32 $0x1, s30  }
0x15: {  	p0 =	sne.s32 s30, s5  }
.Ltmp1:
0x16: {  	_ = 	snop;
	(pc) =	sbr.rel @!p0 .LBB2_5-.Ltmp1, $1  }
0x17: {  	_ =	sdelay $0x3  }
.LBB2_1:
0x18: {  	[tilespmem:s3], [sflag:$0xA] =	stream.linear.gather [hbm4b:s4+s3], $0x1900, $0x38;
	[tilespmem:$0x19C00] =	vst v63  }
0x19: {  	_ =	swait.ge [sflag:s9], $0x1900  }
0x1a: {  	[sflag:s9] =	ssyncset.done $0x0  }
0x1b: {  	[sflag:s9] =	ssyncadd.s32 $0xFFFFE700  }
0x1c: {  	[tilespmem:s11], [sflag:$0x1] =	stream.indirect.gather [hbm4b:s2+s10], $0x80, s3, s10, $0xb8;
	[tilespmem:$0x19C00] =	vst v63  }
0x1d: {  	_ = 	snop  }
0x1e: {  	[tilespmem:s12], [sflag:$0x2] =	stream.indirect.gather [hbm4b:s2+s10], $0x80, s10, s10, $0xb8;
	[tilespmem:$0x19C00] =	vst v63  }
0x1f: {  	s6 =	simm.s32 $0x100;
	s16 =	simm.s32 $0x180  }
0x20: {  	[tilespmem:s14], [sflag:$0x3] =	stream.indirect.gather [hbm4b:s2+s10], $0x80, s6, s10, $0xb8;
	[tilespmem:$0x19C00] =	vst v63  }
0x21: {  	s7 =	simm.s32 $0xDC00;
	s17 =	simm.s32 $0x200;
	s19 =	simm.s32 $0x280  }
0x22: {  	[tilespmem:s7], [sflag:$0x4] =	stream.indirect.gather [hbm4b:s2+s10], $0x80, s16, s10, $0xb8;
	[tilespmem:$0x19C00] =	vst v63  }
0x23: {  	s20 =	simm.s32 $0x15C00;
	s31 =	smov.u32 s8;
	s13 =	simm.s32 $0x0  }
0x24: {  	[tilespmem:s18], [sflag:$0x5] =	stream.indirect.gather [hbm4b:s2+s10], $0x80, s17, s10, $0xb8;
	[tilespmem:$0x19C00] =	vst v63  }
0x25: {  	s15 =	simm.s32 $0x0;
	s6 =	smov.u32 s0;
	s7 =	smov.u32 s1  }
0x26: {  	[tilespmem:s20], [sflag:$0x6] =	stream.indirect.gather [hbm4b:s2+s10], $0x80, s19, s10, $0xb8;
	[tilespmem:$0x19C00] =	vst v63  }
.LBB2_2:
0x27: {  	_ =	swait.ge [sflag:s21], $0x4000  }
0x28: {  	p0 =	seq.s32 s13, $0x6000;
	[sflag:s21] =	ssyncset.done $0x0  }
.Ltmp2:
0x29: {  	[sflag:s21] =	ssyncadd.s32 $0xFFFFC000;
	(pc) =	sbr.rel @p0 .LBB2_6-.Ltmp2, $4  }
0x2a: {  	_ =	swait.ge [sflag:s22], $0x4000  }
0x2b: {  	[sflag:s22] =	ssyncset.done $0x0  }
0x2c: {  	[sflag:s22] =	ssyncadd.s32 $0xFFFFC000  }
0x2d: {  	[hbm4b:s31+s3] =	stream.linear.scatter [tilespmem:s11], [sflag:$0x7], $0x8000, $0x38;
	[tilespmem:$0x19C00] =	vst v63  }
0x2e: {  	_ =	swait.ge [sflag:s24], $0x4000  }
0x2f: {  	[sflag:s24] =	ssyncset.done $0x0  }
0x30: {  	[sflag:s24] =	ssyncadd.s32 $0xFFFFC000  }
0x31: {  	_ =	swait.ge [sflag:s25], $0x4000  }
0x32: {  	[sflag:s25] =	ssyncset.done $0x0  }
0x33: {  	[sflag:s25] =	ssyncadd.s32 $0xFFFFC000  }
0x34: {  	[hbm4b:s7+s3] =	stream.linear.scatter [tilespmem:s14], [sflag:$0x8], $0x8000, $0x38;
	[tilespmem:$0x19C00] =	vst v63  }
0x35: {  	_ =	swait.ge [sflag:s26], $0x4000  }
0x36: {  	[sflag:s26] =	ssyncset.done $0x0  }
0x37: {  	[sflag:s26] =	ssyncadd.s32 $0xFFFFC000  }
0x38: {  	_ =	swait.ge [sflag:s28], $0x4000  }
0x39: {  	[sflag:s28] =	ssyncset.done $0x0  }
0x3a: {  	[sflag:s28] =	ssyncadd.s32 $0xFFFFC000  }
0x3b: {  	[hbm4b:s6+s3] =	stream.linear.scatter [tilespmem:s18], [sflag:$0x9], $0x8000, $0x38;
	[tilespmem:$0x19C00] =	vst v63  }
0x3c: {  	_ =	swait.ge [sflag:s23], $0x8000  }
0x3d: {  	s16 =	sshra.s32 s13, $0x2;
	[sflag:s23] =	ssyncset.done $0x0  }
0x3e: {  	s17 =	sadd.s32 $0x300, s16;
	[sflag:s23] =	ssyncadd.s32 $0xFFFF8000  }
0x3f: {  	[tilespmem:s11], [sflag:$0x1] =	stream.indirect.gather [hbm4b:s2+s10], $0x80, s17, s10, $0xb8;
	[tilespmem:$0x19C00] =	vst v63  }
0x40: {  	s16 =	sadd.s32 $0x380, s16  }
0x41: {  	[tilespmem:s12], [sflag:$0x2] =	stream.indirect.gather [hbm4b:s2+s10], $0x80, s16, s10, $0xb8;
	[tilespmem:$0x19C00] =	vst v63  }
0x42: {  	p0 =	slt.u32 s15, $0x7;
	_ =	swait.ge [sflag:s29], $0x8000  }
0x43: {  	s19 =	simm.s32 @p0 $0x80;
	s16 =	sshra.s32 @p0 s13, $0x2;
	[sflag:s29] =	ssyncset.done $0x0  }
0x44: {  	s20 =	simm.s32 @p0 $0x9C00;
	s17 =	sadd.s32 @p0 $0x400, s16;
	[sflag:s29] =	ssyncadd.s32 $0xFFFF8000  }
0x45: {  	[tilespmem:s20], [sflag:$0x3] =	stream.indirect.gather @p0 [hbm4b:s2+s19], $0x80, s17, s19, $0xb8;
	[tilespmem:$0x19C00] =	vst v63  }
0x46: {  	s17 =	sadd.s32 @p0 $0x480, s16;
	s20 =	simm.s32 @p0 $0xDC00  }
0x47: {  	[tilespmem:s20], [sflag:$0x4] =	stream.indirect.gather @p0 [hbm4b:s2+s19], $0x80, s17, s19, $0xb8;
	[tilespmem:$0x19C00] =	vst v63  }
0x48: {  	s17 =	simm.s32 @p0 $0x9  }
0x49: {  	_ =	swait.ge @p0 [sflag:s17], $0x8000  }
0x4a: {  	[sflag:s17] =	ssyncset.done @p0 $0x0  }
0x4b: {  	s20 =	simm.s32 @p0 $0x11C00;
	[sflag:s17] =	ssyncadd.s32 @p0 $0xFFFF8000;
	s17 =	sadd.s32 @p0 $0x500, s16  }
0x4c: {  	[tilespmem:s20], [sflag:$0x5] =	stream.indirect.gather @p0 [hbm4b:s2+s19], $0x80, s17, s19, $0xb8;
	[tilespmem:$0x19C00] =	vst v63  }
0x4d: {  	s16 =	sadd.s32 @p0 $0x580, s16;
	s17 =	simm.s32 @p0 $0x15C00  }
0x4e: {  	[tilespmem:s17], [sflag:$0x6] =	stream.indirect.gather @p0 [hbm4b:s2+s19], $0x80, s16, s19, $0xb8;
	[tilespmem:$0x19C00] =	vst v63  }
0x4f: {  	s16 =	simm.s32 @!p0 $0x9  }
0x50: {  	_ =	swait.ge @!p0 [sflag:s16], $0x8000  }
0x51: {  	s13 =	sadd.s32 $0xC00, s13;
	[sflag:s16] =	ssyncset.done @!p0 $0x0  }
0x52: {  	[sflag:s16] =	ssyncadd.s32 @!p0 $0xFFFF8000;
	p0 =	sne.s32 s13, $0x6C00  }
.Ltmp3:
0x53: {  	_ = 	snop;
	(pc) =	sbr.rel @p0 .LBB2_2-.Ltmp3, $4  }
.Ltmp4:
0x54: {  	_ = 	snop;
	(pc) =	sbr.rel @!p0 .LBB2_4-.Ltmp4, $4  }
0x55: {  	_ = 	snop  }
0x56: {  	s15 =	sadd.s32 $0x1, s15  }
0x57: {  	s31 =	sadd.s32 $0x3000, s31;
	s7 =	sadd.s32 $0x3000, s7;
	s6 =	sadd.s32 $0x3000, s6  }
0x58: {  	_ = 	snop  }
.LBB2_5:
0x59: {  	_ =	sfence.sel $0x180000  }
0x5a: {  	[bflag:$0x0] =	sbarrier.arrive $0xFFFF  }
0x5b: {  	_ =	strace $0x90000047  }
0x5c: {  	s0 =	stileid.u32;
	[bflag:$0x2] =	sbarrier.arrive $0xFFFF  }
0x5d: {  	p0 =	sne.s32 s0, $0x0;
	s0 =	rddreg [dreg:$0x3]  }
0x5e: {  	s0 =	sadd.s32 @!p0 $0x100000, s0  }
0x5f: {  	[sflag:s0] =	ssyncadd.tile.s32 @!p0 $0x1;
	_ =	shalt  }
.Lfunc_end2:
_tile_overlayer_lowered:
.L_overlay_start_2:
0x60: {  	(tag) =	ssettag $0x2  }
0x61: {  	s0 =	rddreg [dreg:$0x0];
	s2 =	stileid.u32  }
0x62: {  	s1 =	rddreg [dreg:$0x1];
	p0 =	sne.s32 s2, $0x0  }
0x63: {  	s3 =	rddreg [dreg:$0x2];
	[bflag:$0x3] =	sbarrier.arrive $0xFFFF;
	s2 =	simm.s32 @!p0 $0x1C0A  }
0x64: {  	[timem:s3], [sflag:s2] =	dma.local @!p0 [hbm:s0], s1  }
0x65: {  	s0 =	simm.s32 @!p0 $0xA  }
0x66: {  	_ =	swait.ge @!p0 [sflag:s0], s1  }
0x67: {  	s1 =	ssub.s32 @!p0 $0x0, s1;
	[sflag:s0] =	ssyncset.done @!p0 $0x0  }
0x68: {  	[sflag:s0] =	ssyncadd.s32 @!p0 s1  }
0x69: {  	[bflag:$0x3] =	sbarrier.arrive $0xFFFF  }
0x6a: {  	_ =	shalt  }

</sc_bundles>
